<compile_context>
chip_gen: v7x
topology: tpu7x:2x2x1
jax: 0.10.2.dev20260603
libtpu: 0.0.44.dev20260713+nightly
codegen_flags: <defaults>
</compile_context>

<pallas_src>
import jax
import jax.numpy as jnp
from jax.experimental import pallas as pl

_NUM_TOKENS = 5
_BL = 512


def _embed_kernel(idx_ref, tok_ref, pos_ref, out_ref):
    idx = idx_ref[...]
    acc = pos_ref[...]
    for t in range(1, _NUM_TOKENS):
        row = tok_ref[pl.ds(t, 1), :]
        acc = acc + jnp.where(idx == t, row, 0.0)
    out_ref[...] = acc


def kernel(seq_indices, token_embed, pos_embed):
    B, L = seq_indices.shape
    E = token_embed.shape[1]
    idx2d = seq_indices.astype(jnp.int32).reshape(B * L, 1)
    jl = L // _BL
    grid = (B, jl)
    out = pl.pallas_call(
        _embed_kernel,
        grid=grid,
        in_specs=[
            pl.BlockSpec((_BL, 1), lambda i, j: (i * jl + j, 0)),
            pl.BlockSpec((_NUM_TOKENS, E), lambda i, j: (0, 0)),
            pl.BlockSpec((_BL, E), lambda i, j: (j, 0)),
        ],
        out_specs=pl.BlockSpec((_BL, E), lambda i, j: (i * jl + j, 0)),
        out_shape=jax.ShapeDtypeStruct((B * L, E), jnp.float32),
    )(idx2d, token_embed, pos_embed)
    return out.reshape(B, L, E)

# --- scband reference (transcript-rebuilt; emitter-appended) ---
"""Pipeline reference for scband-rnaembedding-11836929867882 (READ-ONLY COPY).

The authoritative reference and input builder live on the scoring server;
editing this copy changes nothing except your own understanding.
"""

import jax, jax.numpy as jnp
import numpy as np

NUM_TOKENS = 5
EMBED_DIM = 64
MAX_LEN = 2048
B = 256
L = 2048

def setup_inputs(seed: int = 0) -> dict:
    key = jax.random.key(seed)
    k1, k2, k3 = jax.random.split(key, 3)
    seq_indices = jax.random.randint(k1, (B, L), 0, NUM_TOKENS, dtype=jnp.int64 if jax.config.jax_enable_x64 else jnp.int32)
    token_embed = jax.random.normal(k2, (NUM_TOKENS, EMBED_DIM), dtype=jnp.float32)
    # padding_idx=0 -> row 0 initialized to zeros, as in nn.Embedding(padding_idx=0)
    token_embed = token_embed.at[0].set(0.0)
    pos_embed = jax.random.normal(k3, (MAX_LEN, EMBED_DIM), dtype=jnp.float32)
    return {"seq_indices": seq_indices, "token_embed": token_embed, "pos_embed": pos_embed}

def reference(seq_indices, token_embed, pos_embed):
    Bb, Ll = seq_indices.shape
    positions = jnp.broadcast_to(jnp.arange(Ll)[None, :], (Bb, Ll))
    tok = jnp.take(token_embed, seq_indices, axis=0)
    pos = jnp.take(pos_embed, positions, axis=0)
    return tok + pos

if __name__ == "__main__":
    import jax
    _d = setup_inputs()
    print(jax.jit(kernel)(*tuple(_d.values())))

</pallas_src>

<mosaic_0001>
module attributes {stable_mosaic.version = 14 : i64} {
  func.func @_embed_kernel(%arg0: i32, %arg1: i32, %arg2: memref<512x1xi32, #tpu.memory_space<vmem>>, %arg3: memref<5x64xf32, #tpu.memory_space<vmem>>, %arg4: memref<512x64xf32, #tpu.memory_space<vmem>>, %arg5: memref<512x64xf32, #tpu.memory_space<vmem>>) attributes {dimension_semantics = [#tpu.dimension_semantics<arbitrary>, #tpu.dimension_semantics<arbitrary>], iteration_bounds = array<i64: 256, 4>, scalar_prefetch = 0 : i64, scratch_operands = 0 : i64, tpu.core_type = #tpu.core_type<tc>, window_params = [{transform_indices = @transform_0, window_bounds = array<i64: 512, 1>}, {pipeline_mode = #tpu.pipeline_mode<synchronous>, transform_indices = @transform_1, window_bounds = array<i64: 5, 64>}, {transform_indices = @transform_2, window_bounds = array<i64: 512, 64>}, {transform_indices = @transform_3, window_bounds = array<i64: 512, 64>}]} {
    %get3A = arith.constant 0 : index
    %get3A_0 = arith.constant 0 : index
    %get3A_1 = vector.load %arg2[%get3A, %get3A_0] : memref<512x1xi32, #tpu.memory_space<vmem>>, vector<512x1xi32>
    %get3A_2 = arith.constant 0 : index
    %get3A_3 = arith.constant 0 : index
    %get3A_4 = vector.load %arg4[%get3A_2, %get3A_3] : memref<512x64xf32, #tpu.memory_space<vmem>>, vector<512x64xf32>
    %get3A_5 = arith.constant 1 : index
    %get3A_6 = arith.constant 0 : index
    %get3A_7 = vector.load %arg3[%get3A_5, %get3A_6] : memref<5x64xf32, #tpu.memory_space<vmem>>, vector<1x64xf32>
    %eq3A = arith.constant 1 : i32
    %eq3A_8 = vector.broadcast %eq3A : i32 to vector<512x1xi32>
    %eq3A_9 = arith.cmpi eq, %get3A_1, %eq3A_8 : vector<512x1xi32>
    %jit3A = arith.constant 0.000000e+00 : f32
    %broadcast_in_dim3A = vector.shape_cast %eq3A_9 : vector<512x1xi1> to vector<512x1xi1>
    %broadcast_in_dim3A_10 = vector.broadcast %broadcast_in_dim3A : vector<512x1xi1> to vector<512x64xi1>
    %broadcast_in_dim3A_11 = vector.shape_cast %get3A_7 : vector<1x64xf32> to vector<1x64xf32>
    %broadcast_in_dim3A_12 = vector.broadcast %broadcast_in_dim3A_11 : vector<1x64xf32> to vector<512x64xf32>
    %broadcast_in_dim3A_13 = vector.broadcast %jit3A : f32 to vector<512x64xf32>
    %select_n3A = arith.select %broadcast_in_dim3A_10, %broadcast_in_dim3A_12, %broadcast_in_dim3A_13 : vector<512x64xi1>, vector<512x64xf32>
    %add3A = arith.addf %get3A_4, %select_n3A : vector<512x64xf32>
    %get3A_14 = arith.constant 2 : index
    %get3A_15 = arith.constant 0 : index
    %get3A_16 = vector.load %arg3[%get3A_14, %get3A_15] : memref<5x64xf32, #tpu.memory_space<vmem>>, vector<1x64xf32>
    %eq3A_17 = arith.constant 2 : i32
    %eq3A_18 = vector.broadcast %eq3A_17 : i32 to vector<512x1xi32>
    %eq3A_19 = arith.cmpi eq, %get3A_1, %eq3A_18 : vector<512x1xi32>
    %jit3A_20 = arith.constant 0.000000e+00 : f32
    %broadcast_in_dim3A_21 = vector.shape_cast %eq3A_19 : vector<512x1xi1> to vector<512x1xi1>
    %broadcast_in_dim3A_22 = vector.broadcast %broadcast_in_dim3A_21 : vector<512x1xi1> to vector<512x64xi1>
    %broadcast_in_dim3A_23 = vector.shape_cast %get3A_16 : vector<1x64xf32> to vector<1x64xf32>
    %broadcast_in_dim3A_24 = vector.broadcast %broadcast_in_dim3A_23 : vector<1x64xf32> to vector<512x64xf32>
    %broadcast_in_dim3A_25 = vector.broadcast %jit3A_20 : f32 to vector<512x64xf32>
    %select_n3A_26 = arith.select %broadcast_in_dim3A_22, %broadcast_in_dim3A_24, %broadcast_in_dim3A_25 : vector<512x64xi1>, vector<512x64xf32>
    %add3A_27 = arith.addf %add3A, %select_n3A_26 : vector<512x64xf32>
    %get3A_28 = arith.constant 3 : index
    %get3A_29 = arith.constant 0 : index
    %get3A_30 = vector.load %arg3[%get3A_28, %get3A_29] : memref<5x64xf32, #tpu.memory_space<vmem>>, vector<1x64xf32>
    %eq3A_31 = arith.constant 3 : i32
    %eq3A_32 = vector.broadcast %eq3A_31 : i32 to vector<512x1xi32>
    %eq3A_33 = arith.cmpi eq, %get3A_1, %eq3A_32 : vector<512x1xi32>
    %jit3A_34 = arith.constant 0.000000e+00 : f32
    %broadcast_in_dim3A_35 = vector.shape_cast %eq3A_33 : vector<512x1xi1> to vector<512x1xi1>
    %broadcast_in_dim3A_36 = vector.broadcast %broadcast_in_dim3A_35 : vector<512x1xi1> to vector<512x64xi1>
    %broadcast_in_dim3A_37 = vector.shape_cast %get3A_30 : vector<1x64xf32> to vector<1x64xf32>
    %broadcast_in_dim3A_38 = vector.broadcast %broadcast_in_dim3A_37 : vector<1x64xf32> to vector<512x64xf32>
    %broadcast_in_dim3A_39 = vector.broadcast %jit3A_34 : f32 to vector<512x64xf32>
    %select_n3A_40 = arith.select %broadcast_in_dim3A_36, %broadcast_in_dim3A_38, %broadcast_in_dim3A_39 : vector<512x64xi1>, vector<512x64xf32>
    %add3A_41 = arith.addf %add3A_27, %select_n3A_40 : vector<512x64xf32>
    %get3A_42 = arith.constant 4 : index
    %get3A_43 = arith.constant 0 : index
    %get3A_44 = vector.load %arg3[%get3A_42, %get3A_43] : memref<5x64xf32, #tpu.memory_space<vmem>>, vector<1x64xf32>
    %eq3A_45 = arith.constant 4 : i32
    %eq3A_46 = vector.broadcast %eq3A_45 : i32 to vector<512x1xi32>
    %eq3A_47 = arith.cmpi eq, %get3A_1, %eq3A_46 : vector<512x1xi32>
    %jit3A_48 = arith.constant 0.000000e+00 : f32
    %broadcast_in_dim3A_49 = vector.shape_cast %eq3A_47 : vector<512x1xi1> to vector<512x1xi1>
    %broadcast_in_dim3A_50 = vector.broadcast %broadcast_in_dim3A_49 : vector<512x1xi1> to vector<512x64xi1>
    %broadcast_in_dim3A_51 = vector.shape_cast %get3A_44 : vector<1x64xf32> to vector<1x64xf32>
    %broadcast_in_dim3A_52 = vector.broadcast %broadcast_in_dim3A_51 : vector<1x64xf32> to vector<512x64xf32>
    %broadcast_in_dim3A_53 = vector.broadcast %jit3A_48 : f32 to vector<512x64xf32>
    %select_n3A_54 = arith.select %broadcast_in_dim3A_50, %broadcast_in_dim3A_52, %broadcast_in_dim3A_53 : vector<512x64xi1>, vector<512x64xf32>
    %add3A_55 = arith.addf %add3A_41, %select_n3A_54 : vector<512x64xf32>
    %swap3A = arith.constant 0 : index
    %swap3A_56 = arith.constant 0 : index
    %swap3A_57 = vector.load %arg5[%swap3A, %swap3A_56] : memref<512x64xf32, #tpu.memory_space<vmem>>, vector<512x64xf32>
    tpu.vector_store %arg5[%swap3A, %swap3A_56], %add3A_55 {strides = array<i32>} : memref<512x64xf32, #tpu.memory_space<vmem>>, vector<512x64xf32>,
    return
  }
  func.func @transform_0(%arg0: i32, %arg1: i32) -> (i32, i32) {
    %mul3A = arith.constant 4 : i32
    %mul3A_0 = arith.muli %arg0, %mul3A : i32
    %add3A = arith.addi %mul3A_0, %arg1 : i32
    %c0_i32 = arith.constant 0 : i32
    %c0_i32_1 = arith.constant 0 : i32
    return %add3A, %c0_i32 : i32, i32
  }
  func.func @transform_1(%arg0: i32, %arg1: i32) -> (i32, i32) {
    %c0_i32 = arith.constant 0 : i32
    %c0_i32_0 = arith.constant 0 : i32
    %c0_i32_1 = arith.constant 0 : i32
    return %c0_i32, %c0_i32_0 : i32, i32
  }
  func.func @transform_2(%arg0: i32, %arg1: i32) -> (i32, i32) {
    %c0_i32 = arith.constant 0 : i32
    %c0_i32_0 = arith.constant 0 : i32
    return %arg1, %c0_i32 : i32, i32
  }
  func.func @transform_3(%arg0: i32, %arg1: i32) -> (i32, i32) {
    %mul3A = arith.constant 4 : i32
    %mul3A_0 = arith.muli %arg0, %mul3A : i32
    %add3A = arith.addi %mul3A_0, %arg1 : i32
    %c0_i32 = arith.constant 0 : i32
    %c0_i32_1 = arith.constant 0 : i32
    return %add3A, %c0_i32 : i32, i32
  }
}

</mosaic_0001>

<sc_bundles>
// kernel: sparse-core-data-format-call.cloned.1.call-start
scs
called_computation_lowered:
.L_overlay_start_0:
0x0: {  	s2 =	sld [smem:$0x3FD9]  }
0x1: {  	s3 =	sld [smem:$0x3FFE];
	_ =	sdelay $0x1  }
0x2: {  	s1 =	srdreg.scid  }
0x3: {  	s0 =	sand.u32 $0x1, s1  }
0x4: {  	s18 =	sshll.u32 s0, $0xA;
	s2 =	sadd.s32 s3, s2  }
0x5: {  	s2 =	sadd.s32 s2, s18  }
0x6: {  	[smem:$0x3FC5] =	sst s2  }
0x7: {  	_ = 	snop  }
0x8: {  	s2 =	sld [smem:$0x3FD0];
	(tm) =	ssettm $0x1  }
0x9: {  	s19 =	sld [smem:$0x3FFB];
	_ =	sdelay $0x3  }
0xa: {  	_ =	strace s19  }
0xb: {  	s3 =	sld [smem:$0x3FFC];
	_ =	sdelay $0x3  }
0xc: {  	_ =	strace s3  }
0xd: {  	s3 =	sld [smem:$0x3FFD];
	_ =	sdelay $0x3  }
0xe: {  	_ =	strace s3  }
0xf: {  	_ =	strace $0x8FFFFFFF  }
0x10: {  	s20 =	sld [smem:$0x3FDB];
	_ =	sdelay $0x1  }
0x11: {  	s4 =	simm.s32 $_scs_section_size  }
0x12: {  	s5 =	simm.s32 $_size__tile_overlayer_lowered;
	s6 =	simm.s32 $_tile_overlayer_lowered  }
0x13: {  	s23 =	simm.s32 $0x1BFF;
	s22 =	sshll.u32 s6, $0x1;
	s3 =	sadd.s32 s4, s20  }
0x14: {  	s7 =	simm.s32 $0x0;
	s21 =	sshll.u32 s5, $0x1;
	s5 =	sadd.s32 s22, s3  }
0x15: {  	[timem:s7], [sflag:s23] =	dma.local [hbm:s5], s21  }
0x16: {  	_ =	swait.ge [sflag:s23], s21  }
0x17: {  	s4 =	ssub.s32 $0x0, s21;
	[sflag:s23] =	ssyncset.done $0x0  }
0x18: {  	[sflag:s23] =	ssyncadd.s32 s4;
	_ =	sdelay $0x1  }
0x19: {  	s24 =	simm.s32 $0x1B8B  }
0x1a: {  	_ =	swait.ge [sflag:s24], $0x1  }
0x1b: {  	[sflag:s24] =	ssyncset.done $0x0  }
0x1c: {  	s26 =	simm.s32 $0x1B8E;
	s25 =	sld [smem:$0x3FFE];
	[sflag:s24] =	ssyncadd.s32 $0xFFFFFFFF  }
0x1d: {  	s27 =	simm.s32 $execute0_lowered;
	[smem:$0x3FD2] =	sst s26  }
0x1e: {  	s5 =	sshll.u32 s27, $0x1;
	_ =	strace $0x80000046;
	[dreg:$0x1] =	wrdreg $0xFFFFFFFF  }
0x1f: {  	s28 =	simm.s32 $_size_execute0_lowered;
	s3 =	sadd.s32 s3, s5;
	[dreg:$0x0] =	wrdreg $0x0  }
0x20: {  	s5 =	sshll.u32 s28, $0x1;
	[dreg:$0x2] =	wrdreg s3  }
0x21: {  	[dreg:$0x3] =	wrdreg s5  }
0x22: {  	[dreg:$0x4] =	wrdreg $0xC0  }
0x23: {  	_ =	task [dreg:s7], $0x5FFFF  }
0x24: {  	[dreg:$0x1] =	wrdreg $0xFFFFFFFF  }
0x25: {  	[dreg:$0x0] =	wrdreg $0x60  }
0x26: {  	[dreg:$0x2] =	wrdreg s25  }
0x27: {  	[dreg:$0x3] =	wrdreg s2  }
0x28: {  	[dreg:$0x4] =	wrdreg $0x9  }
0x29: {  	_ =	task.clear_ibuf [dreg:s7], $0x5FFFF;
	_ =	strace $0x90000046  }
0x2a: {  	s29 =	simm.s32 $0x9;
	_ =	strace $0x80000048  }
0x2b: {  	_ =	swait.ge [sflag:s29], $0x1  }
0x2c: {  	[sflag:s29] =	ssyncadd.s32 $0xFFFFFFFF  }
0x2d: {  	_ =	strace $0x90000048  }
0x2e: {  	_ =	sfence  }
0x2f: {  	s30 =	sld [smem:$0x0];
	_ =	sdelay $0x2  }
0x30: {  	s31 =	sshll.u32 s1, $0xD;
	s1 =	sshrl.u32 s1, $0x2  }
0x31: {  	s3 =	sand.u32 $0x4000, s31;
	s1 =	sadd.s32 s1, s30  }
0x32: {  	s0 =	sor.u32 s3, s0;
	s1 =	sshll.u32 s1, $0x11  }
0x33: {  	s0 =	sor.u32 s1, s0  }
0x34: {  	s0 =	sadd.s32 $0x8F2B, s0  }
0x35: {  	[sflag:s0] =	ssyncadd.remote.s32 $0x1  }
0x36: {  	_ =	sfence.sel $0xFFFF  }
0x37: {  	[dreg:$0x0] =	wrdreg $0xFFFFFFFF;
	(pc) =	sbr.abs _section_cstart, $3  }
0x38: {  	[dreg:$0x1] =	wrdreg $0xFFFFFFFF  }
0x39: {  	_ =	task.clear_ibuf [dreg:s7], $0x2FFFF;
	_ =	strace $0x9FFFFFFF  }
0x3a: {  	(tm) =	ssettm $0x7FFFFFFF  }
0x3b: {  	_ =	shalt  }
tec
execute0_lowered:
.L_overlay_start_1:
0x0: {  	(tag) =	ssettag $0x1  }
0x1: {  	s0 =	srdreg.scid  }
0x2: {  	s7 =	rddreg [dreg:$0x0];
	s1 =	sshll.u32 s0, $0x4  }
0x3: {  	s3 =	rddreg [dreg:$0x1];
	s0 =	stileid.u32;
	s1 =	sand.u32 $0x10, s1  }
0x4: {  	s6 =	simm.s32 $0x1;
	s31 =	simm.s32 $0x2;
	s1 =	sor.u32 s0, s1  }
0x5: {  	s13 =	simm.s32 $0x0;
	s9 =	simm.s32 $0x4000;
	s2 =	sshll.u32 s1, $0x1  }
0x6: {  	s14 =	simm.s32 $0x0;
	s10 =	simm.s32 $0x0;
	s4 =	ssub.s32 $0x100, s2  }
0x7: {  	s12 =	simm.s32 $0x0;
	s1 =	rddreg [dreg:$0x2];
	s5 =	sand.u32 $0x3E, s4  }
.Ltmp0:
0x8: {  	_ =	strace $0x80000047;
	p0 =	sne.s32 s5, $0x0;
	(pc) =	sbr.rel .LBB1_1-.Ltmp0, $4  }
0x9: {  	s11 =	smov.u32 s2;
	s8 =	sshrl.u32 s4, $0x6;
	s6 =	simm.s32 @!p0 $0x0  }
0xa: {  	s4 =	sadd.s32 $0x800600, s7;
	s5 =	simm.s32 $0x1;
	s6 =	sadd.s32 s6, s8  }
0xb: {  	s7 =	sadd.s32 $0x808600, s7;
	[sflag:s5] =	ssyncpa.u1 $0x0;
	s6 =	sshll.u32 s6, $0x4  }
0xc: {  	p0 =	por $0x0, $0x0;
	[sflag:s31] =	ssyncpa.u1 $0x0;
	s8 =	sor.u32 $0x1, s6  }
.LBB1_7:
0xd: {  	s15 =	sadd.s32 $0x80, s10  }
0xe: {  	s13 =	sadd.s32 $0x40, s11;
	s17 =	smov.u32 s11;
	p2 =	sgt.s32 s15, $0x7FF  }
0xf: {  	s17 =	smov.u32 @p2 s13  }
0x10: {  	s15 =	simm.s32 @p2 $0x0;
	p2 =	sgt.s32 s17, $0xFF  }
0x11: {  	s17 =	smov.u32 @p2 s2;
	p2 =	sne.s32 s12, s8  }
.Ltmp1:
0x12: {  	p1 =	slt.u32 s12, $0x2;
	(pc) =	sbr.rel @!p2 .LBB1_8-.Ltmp1, $4  }
0x13: {  	s16 =	simm.s32 @!p1 $0x2  }
0x14: {  	s14 =	smov.u32 s11;
	p0 =	por !p0, !p0;
	_ =	swait.ge @!p1 [sflag:s16], $0x4000  }
0x15: {  	s13 =	smov.u32 s10;
	[sflag:s16] =	ssyncset.done @!p1 $0x0;
	s10 =	smov.u32 s15  }
0x16: {  	s12 =	sadd.s32 $0x1, s12;
	[sflag:s16] =	ssyncadd.s32 @!p1 $0xFFFFC000;
	s11 =	smov.u32 s17  }
.LBB1_1:
0x17: {  	p1 =	sge.u32 s12, s6  }
0x18: {  	s15 =	sxor.u32 @!p1 $0xFFFFFFFF, s12;
	s16 =	sshll.u32 @!p1 s11, $0xF  }
0x19: {  	s17 =	sshll.u32 @!p1 s10, $0x4;
	s19 =	simm.s32 @!p1 $0x40;
	s20 =	simm.s32 @!p1 $0x80  }
0x1a: {  	s15 =	sshll.u32 @!p1 s15, $0xE;
	s17 =	sand.u32 @!p1 $0x7FF0, s17;
	s18 =	sadd.s32 @!p1 s4, s16  }
0x1b: {  	s16 =	sadd.s32 @!p1 s16, s7;
	s15 =	sand.u32 @!p1 $0x4000, s15;
	s18 =	sadd.s32 @!p1 s17, s18  }
0x1c: {  	[tilespmem:s15], [sflag:$0x1] =	stream.strided.gather @!p1 [hbm4b:s18+s19], $0x2000, s20, s19, $0x38;
	[tilespmem:$0x10100] =	vst v63  }
0x1d: {  	s31 =	sadd.s32 $0xFFFFFFFF, s12;
	s16 =	sadd.s32 @!p1 s17, s16;
	s15 =	sor.u32 @!p1 $0x2000, s15  }
0x1e: {  	[tilespmem:s15], [sflag:$0x1] =	stream.strided.gather @!p1 [hbm4b:s16+s19], $0x2000, s20, s19, $0x38;
	[tilespmem:$0x10100] =	vst v63  }
0x1f: {  	p1 =	sge.u32 s31, s6  }
.Ltmp2:
0x20: {  	_ = 	snop;
	(pc) =	sbr.rel @p1 .LBB1_7-.Ltmp2, $1  }
0x21: {  	_ =	sdelay $0x3  }
0x22: {  	s15 =	simm.s32 $0x1;
	s17 =	sand.u32 $0x1, s12  }
0x23: {  	_ =	swait.ge [sflag:s5], $0x4000;
	s15 =	simm.s32 @!p0 $0x0;
	s17 =	smul.u32 $0x10200, s17  }
0x24: {  	p2 =	por $0x1, $0x1;
	[sflag:s5] =	ssyncset.done $0x0;
	s16 =	smul.u32 $0x10200, s15  }
0x25: {  	s18 =	sshll.u32 s15, $0x10;
	[sflag:s5] =	ssyncadd.s32 $0xFFFFC000;
	s30 =	sshrl.u32 s17, $0x2  }
0x26: {  	s31 =	sshrl.u32 s18, $0x2;
	s18 =	simm.s32 $0x0;
	s16 =	sshrl.u32 s16, $0x2  }
0x27: {  	s15 =	sor.u32 $0x8000, s30;
	s17 =	sadd.s32 $0x20, s31;
	s16 =	sor.u32 $0x8000, s16  }
.LBB1_3:
0x28: {  	s19 =	sshll.u32 s18, $0xD  }
0x29: {  	s19 =	sand.u32 $0x3FFFE000, s19  }
0x2a: {  	s21 =	sadd.s32 s19, s17  }
0x2b: {  	s31 =	smul.u32 $0x8100, s18;
	v3 =	vld [tilespmem:s21+$0x10]  }
0x2c: {  	v1 =	vld [tilespmem:s21+$0xFFFFFFF0]  }
0x2d: {  	s18 =	sshra.s32 s31, $0x2;
	v0 =	vld [tilespmem:s21+$0x0]  }
0x2e: {  	s18 =	sadd.s32 s18, s16;
	v2 =	vld [tilespmem:s21+$0xFFFFFFE0]  }
0x2f: {  	s19 =	sadd.s32 $0x0, s18  }
0x30: {  	p1 =	por p2, p2;
	s20 =	simm.s32 $0x4;
	s21 =	sadd.s32 $0x40, s21;
	[tilespmem:s19+$0x1830 ss:$0x81] =	vst.msk $0xffff, v3  }
.LBB1_4:
0x31: {  	v3 =	vld [tilespmem:s21+$0x10];
	p2 =	sne.s32 s20, $0x1FC;
	[tilespmem:s19+$0x810 ss:$0x81] =	vst.msk $0xffff, v1;
	s22 =	smov.u32 s20;
	s20 =	sadd.s32 $0x4, s20  }
.Ltmp3:
0x32: {  	v1 =	vld [tilespmem:s21+$0xFFFFFFF0];
	[tilespmem:s19+$0x1020 ss:$0x81] =	vst.msk $0xffff, v0;
	(pc) =	sbr.rel @p2 .LBB1_4-.Ltmp3, $4  }
0x33: {  	v0 =	vld [tilespmem:s21+$0x0];
	[tilespmem:s19+$0x0 ss:$0x81] =	vst.msk $0xffff, v2  }
0x34: {  	s19 =	sshra.s32 s22, $0x2;
	v2 =	vld [tilespmem:s21+$0xFFFFFFE0]  }
0x35: {  	s19 =	sadd.s32 s19, s18  }
0x36: {  	s21 =	sadd.s32 $0x40, s21;
	[tilespmem:s19+$0x1830 ss:$0x81] =	vst.msk $0xffff, v3  }
.Ltmp4:
0x37: {  	(pc) =	sbr.rel @p1 .LBB1_3-.Ltmp4, $4  }
0x38: {  	_ = 	snop  }
0x39: {  	[tilespmem:s19+$0x810 ss:$0x81] =	vst.msk $0xffff, v1  }
0x3a: {  	[tilespmem:s19+$0x1020 ss:$0x81] =	vst.msk $0xffff, v0  }
0x3b: {  	s18 =	simm.s32 $0x1;
	p2 =	por $0x0, $0x0;
	[tilespmem:s19+$0x0 ss:$0x81] =	vst.msk $0xffff, v2  }
0x3c: {  	s16 =	sshll.u32 s13, $0x3;
	s17 =	sand.u32 $0x78, s13;
	s14 =	sshll.u32 s14, $0xE  }
.Ltmp5:
0x3d: {  	s30 =	sand.u32 $0x3F00, s13;
	s16 =	sand.u32 $0x400, s16;
	(pc) =	sbr.rel .LBB1_7-.Ltmp5, $4  }
0x3e: {  	s31 =	sand.u32 $0x7, s13;
	s14 =	sadd.s32 s3, s14;
	s16 =	sor.u32 s17, s16  }
0x3f: {  	s13 =	sshll.u32 s31, $0x12;
	s14 =	sadd.s32 s30, s14;
	s16 =	sshrl.u32 s16, $0x3  }
0x40: {  	s13 =	sor.u32 $0x400, s13;
	s14 =	sadd.s32 s16, s14  }
0x41: {  	[hbm4b:s14+s13] =	stream.strided.scatter [tilespmem:s15], [sflag:$0x2], $0x4000, s9, s13, $0x20;
	[tilespmem:$0x10100] =	vst v63  }
.LBB1_8:
0x42: {  	_ =	sfence.sel $0x180000  }
0x43: {  	s2 =	simm.s32 $0x1;
	[bflag:$0x0] =	sbarrier.arrive $0xFFFF  }
0x44: {  	s31 =	simm.s32 $0x2;
	[sflag:s2] =	ssyncpa.u1 $0x1  }
0x45: {  	[sflag:s31] =	ssyncpa.u1 $0x1  }
0x46: {  	p0 =	sne.s32 s0, $0x0;
	_ =	strace $0x90000047  }
0x47: {  	s0 =	sadd.s32 @!p0 $0x100000, s1;
	[bflag:$0x2] =	sbarrier.arrive $0xFFFF  }
0x48: {  	[sflag:s0] =	ssyncadd.tile.s32 @!p0 $0x1;
	_ =	shalt  }
.Lfunc_end1:
_tile_overlayer_lowered:
.L_overlay_start_2:
0x49: {  	(tag) =	ssettag $0x2  }
0x4a: {  	s0 =	rddreg [dreg:$0x0];
	s2 =	stileid.u32  }
0x4b: {  	s1 =	rddreg [dreg:$0x1];
	p0 =	sne.s32 s2, $0x0  }
0x4c: {  	s3 =	rddreg [dreg:$0x2];
	[bflag:$0x3] =	sbarrier.arrive $0xFFFF;
	s2 =	simm.s32 @!p0 $0x1C01  }
0x4d: {  	[timem:s3], [sflag:s2] =	dma.local @!p0 [hbm:s0], s1  }
0x4e: {  	s0 =	simm.s32 @!p0 $0x1  }
0x4f: {  	_ =	swait.ge @!p0 [sflag:s0], s1  }
0x50: {  	s1 =	ssub.s32 @!p0 $0x0, s1;
	[sflag:s0] =	ssyncset.done @!p0 $0x0  }
0x51: {  	[sflag:s0] =	ssyncadd.s32 @!p0 s1  }
0x52: {  	[bflag:$0x3] =	sbarrier.arrive $0xFFFF  }
0x53: {  	_ =	shalt  }

</sc_bundles>
